<compile_context>
chip_gen: v7x
topology: tpu7x:2x2x1
jax: 0.10.2.dev20260603
libtpu: 0.0.44.dev20260713+nightly
codegen_flags: <defaults>
</compile_context>

<pallas_src>
import jax
import jax.numpy as jnp
from jax import lax
from jax.experimental import pallas as pl
from jax.experimental.pallas import tpu as pltpu
from jax.experimental.pallas import tpu_sc as plsc

_L = 16


def _sc_body(I_hbm, d_hbm, zl_hbm, o1_hbm, o2_hbm,
             im_v, d_v, zl_v, o1_v, o2_v, sem):
    wid = lax.axis_index("s") * 2 + lax.axis_index("c")
    c1 = pltpu.async_copy(I_hbm.at[wid], im_v, sem)
    c2 = pltpu.async_copy(d_hbm.at[wid], d_v, sem)
    c3 = pltpu.async_copy(zl_hbm.at[wid], zl_v, sem)
    c1.wait()
    c2.wait()
    c3.wait()

    zero = jnp.zeros((_L,), jnp.float32)

    def group(g0, carry):
        g = g0 * _L
        m = im_v[pl.ds(g, _L)].astype(jnp.float32)
        zlI = zl_v[pl.ds(g, _L)] * m
        nd = -d_v[pl.ds(g, _L)]
        o1_v[pl.ds(g, _L)] = zlI * jnp.maximum(nd, zero)
        o2_v[pl.ds(g, _L)] = zlI * jnp.minimum(nd, zero)
        return carry

    lax.fori_loop(0, 128, group, 0)
    pltpu.sync_copy(o1_v, o1_hbm.at[wid])
    pltpu.sync_copy(o2_v, o2_hbm.at[wid])


def kernel(I, d, zl):
    B, n = d.shape
    out = jax.ShapeDtypeStruct((B, n), jnp.float32)
    mesh = plsc.VectorSubcoreMesh(
        core_axis_name="c", subcore_axis_name="s",
        num_cores=2, num_subcores=16,
    )
    f = pl.kernel(
        _sc_body,
        out_type=(out, out),
        mesh=mesh,
        scratch_types=[
            pltpu.VMEM((n,), jnp.int32),
            pltpu.VMEM((n,), jnp.float32),
            pltpu.VMEM((n,), jnp.float32),
            pltpu.VMEM((n,), jnp.float32),
            pltpu.VMEM((n,), jnp.float32),
            pltpu.SemaphoreType.DMA,
        ],
    )
    return f(I, d, zl)

# --- scband reference (transcript-rebuilt; emitter-appended) ---
"""Pipeline reference for scband-dual-re-lu-62637803045540 (READ-ONLY COPY).

The authoritative reference and input builder live on the scoring server;
editing this copy changes nothing except your own understanding.
"""

import jax, jax.numpy as jnp
import numpy as np


def setup_inputs(seed: int = 0) -> dict:
    key = jax.random.key(seed)
    k1, k2, k3 = jax.random.split(key, 3)
    B, n = 32, 2048
    I = jax.random.randint(k1, (B, n), 0, 2).astype(bool)
    d = jax.random.normal(k2, (B, n), dtype=jnp.float32)
    zl = jax.random.normal(k3, (B, n), dtype=jnp.float32)
    return {"I": I, "d": d, "zl": zl}


def reference(I, d, zl):
    # Faithful port of DualReLU.__init__ (scatter construction of nus and
    # I_collapse) followed immediately by DualReLU.fval(nu_prev=None), which is
    # the first forward evaluation this module performs.
    B, n = d.shape
    # Each nonzero (b, j) of I contributes exactly one row k: nus[k] has its
    # single nonzero d[b, j] at column j, and I_collapse[k] routes it back to
    # batch b, so the scatter + (zlI * max(+-nu, 0)) @ I_collapse reduction is
    # an elementwise masked product at fixed shape (B, n).
    m = I.astype(d.dtype)
    dI = d * m
    zlI = zl * m
    zl_out = (zlI * jnp.maximum(-dI, 0.0)).reshape(B, n)
    zu_out = (-(zlI * jnp.maximum(dI, 0.0))).reshape(B, n)
    return (zl_out, zu_out)

if __name__ == "__main__":
    import jax
    _d = setup_inputs()
    print(jax.jit(kernel)(*tuple(_d.values())))

</pallas_src>

<mosaic_0001>
#map = affine_map<(d0, d1) -> (0, 0)>
module attributes {stable_mosaic.version = 14 : i64} {
  func.func @_sc_body(%arg0: i32, %arg1: i32, %arg2: memref<32x2048xi32, #tpu.memory_space<hbm>>, %arg3: memref<32x2048xf32, #tpu.memory_space<hbm>>, %arg4: memref<32x2048xf32, #tpu.memory_space<hbm>>, %arg5: memref<32x2048xf32, #tpu.memory_space<hbm>>, %arg6: memref<32x2048xf32, #tpu.memory_space<hbm>>, %arg7: memref<2048xi32, #tpu.memory_space<vmem>>, %arg8: memref<2048xf32, #tpu.memory_space<vmem>>, %arg9: memref<2048xf32, #tpu.memory_space<vmem>>, %arg10: memref<2048xf32, #tpu.memory_space<vmem>>, %arg11: memref<2048xf32, #tpu.memory_space<vmem>>, %arg12: memref<!tpu.dma_semaphore, #tpu.memory_space<semaphore_mem>>) attributes {dimension_semantics = [#tpu.dimension_semantics<core_parallel>, #tpu.dimension_semantics<subcore_parallel>], iteration_bounds = array<i64: 2, 16>, scalar_prefetch = 0 : i64, scratch_operands = 6 : i64, tpu.core_type = #tpu.core_type<sc_vector_subcore>, window_params = [{transform_indices = #map}, {transform_indices = #map}, {transform_indices = #map}, {transform_indices = #map}, {transform_indices = #map}]} {
    %mul3A = arith.constant 2 : i32
    %mul3A_0 = arith.muli %arg1, %mul3A : i32
    %add3A = arith.addi %mul3A_0, %arg0 : i32
    %dma_start3A = arith.constant 0 : i32
    %dma_start3A_1 = tpu.memref_slice %arg2[%add3A, %dma_start3A] : memref<32x2048xi32, #tpu.memory_space<hbm>> -> memref<1x2048xi32, #tpu.memory_space<hbm>>
    %dma_start3A_2 = tpu.memref_squeeze %dma_start3A_1 : memref<1x2048xi32, #tpu.memory_space<hbm>> -> memref<2048xi32, #tpu.memory_space<hbm>>
    %dma_start3A_3 = arith.constant 0 : i32
    %dma_start3A_4 = tpu.memref_slice %arg2[%add3A, %dma_start3A_3] : memref<32x2048xi32, #tpu.memory_space<hbm>> -> memref<1x2048xi32, #tpu.memory_space<hbm>>
    %dma_start3A_5 = tpu.memref_squeeze %dma_start3A_4 : memref<1x2048xi32, #tpu.memory_space<hbm>> -> memref<2048xi32, #tpu.memory_space<hbm>>
    tpu.enqueue_dma source(%dma_start3A_5 : memref<2048xi32, #tpu.memory_space<hbm>>) target(%arg7 : memref<2048xi32, #tpu.memory_space<vmem>>) target_semaphore(%arg12 : memref<!tpu.dma_semaphore, #tpu.memory_space<semaphore_mem>>)
    %dma_start3A_6 = arith.constant 0 : i32
    %dma_start3A_7 = tpu.memref_slice %arg3[%add3A, %dma_start3A_6] : memref<32x2048xf32, #tpu.memory_space<hbm>> -> memref<1x2048xf32, #tpu.memory_space<hbm>>
    %dma_start3A_8 = tpu.memref_squeeze %dma_start3A_7 : memref<1x2048xf32, #tpu.memory_space<hbm>> -> memref<2048xf32, #tpu.memory_space<hbm>>
    %dma_start3A_9 = arith.constant 0 : i32
    %dma_start3A_10 = tpu.memref_slice %arg3[%add3A, %dma_start3A_9] : memref<32x2048xf32, #tpu.memory_space<hbm>> -> memref<1x2048xf32, #tpu.memory_space<hbm>>
    %dma_start3A_11 = tpu.memref_squeeze %dma_start3A_10 : memref<1x2048xf32, #tpu.memory_space<hbm>> -> memref<2048xf32, #tpu.memory_space<hbm>>
    tpu.enqueue_dma source(%dma_start3A_11 : memref<2048xf32, #tpu.memory_space<hbm>>) target(%arg8 : memref<2048xf32, #tpu.memory_space<vmem>>) target_semaphore(%arg12 : memref<!tpu.dma_semaphore, #tpu.memory_space<semaphore_mem>>)
    %dma_start3A_12 = arith.constant 0 : i32
    %dma_start3A_13 = tpu.memref_slice %arg4[%add3A, %dma_start3A_12] : memref<32x2048xf32, #tpu.memory_space<hbm>> -> memref<1x2048xf32, #tpu.memory_space<hbm>>
    %dma_start3A_14 = tpu.memref_squeeze %dma_start3A_13 : memref<1x2048xf32, #tpu.memory_space<hbm>> -> memref<2048xf32, #tpu.memory_space<hbm>>
    %dma_start3A_15 = arith.constant 0 : i32
    %dma_start3A_16 = tpu.memref_slice %arg4[%add3A, %dma_start3A_15] : memref<32x2048xf32, #tpu.memory_space<hbm>> -> memref<1x2048xf32, #tpu.memory_space<hbm>>
    %dma_start3A_17 = tpu.memref_squeeze %dma_start3A_16 : memref<1x2048xf32, #tpu.memory_space<hbm>> -> memref<2048xf32, #tpu.memory_space<hbm>>
    tpu.enqueue_dma source(%dma_start3A_17 : memref<2048xf32, #tpu.memory_space<hbm>>) target(%arg9 : memref<2048xf32, #tpu.memory_space<vmem>>) target_semaphore(%arg12 : memref<!tpu.dma_semaphore, #tpu.memory_space<semaphore_mem>>)
    %dma_wait3A = arith.constant 0 : i32
    %dma_wait3A_18 = tpu.memref_slice %arg2[%add3A, %dma_wait3A] : memref<32x2048xi32, #tpu.memory_space<hbm>> -> memref<1x2048xi32, #tpu.memory_space<hbm>>
    %dma_wait3A_19 = tpu.memref_squeeze %dma_wait3A_18 : memref<1x2048xi32, #tpu.memory_space<hbm>> -> memref<2048xi32, #tpu.memory_space<hbm>>
    %dma_wait3A_20 = arith.constant 0 : i32
    %dma_wait3A_21 = tpu.memref_slice %arg2[%add3A, %dma_wait3A_20] : memref<32x2048xi32, #tpu.memory_space<hbm>> -> memref<1x2048xi32, #tpu.memory_space<hbm>>
    %dma_wait3A_22 = tpu.memref_squeeze %dma_wait3A_21 : memref<1x2048xi32, #tpu.memory_space<hbm>> -> memref<2048xi32, #tpu.memory_space<hbm>>
    tpu.wait_dma2 semaphore(%arg12 : memref<!tpu.dma_semaphore, #tpu.memory_space<semaphore_mem>>) src(%dma_wait3A_22 : memref<2048xi32, #tpu.memory_space<hbm>>) dst(%arg7 : memref<2048xi32, #tpu.memory_space<vmem>>)
    %dma_wait3A_23 = arith.constant 0 : i32
    %dma_wait3A_24 = tpu.memref_slice %arg3[%add3A, %dma_wait3A_23] : memref<32x2048xf32, #tpu.memory_space<hbm>> -> memref<1x2048xf32, #tpu.memory_space<hbm>>
    %dma_wait3A_25 = tpu.memref_squeeze %dma_wait3A_24 : memref<1x2048xf32, #tpu.memory_space<hbm>> -> memref<2048xf32, #tpu.memory_space<hbm>>
    %dma_wait3A_26 = arith.constant 0 : i32
    %dma_wait3A_27 = tpu.memref_slice %arg3[%add3A, %dma_wait3A_26] : memref<32x2048xf32, #tpu.memory_space<hbm>> -> memref<1x2048xf32, #tpu.memory_space<hbm>>
    %dma_wait3A_28 = tpu.memref_squeeze %dma_wait3A_27 : memref<1x2048xf32, #tpu.memory_space<hbm>> -> memref<2048xf32, #tpu.memory_space<hbm>>
    tpu.wait_dma2 semaphore(%arg12 : memref<!tpu.dma_semaphore, #tpu.memory_space<semaphore_mem>>) src(%dma_wait3A_28 : memref<2048xf32, #tpu.memory_space<hbm>>) dst(%arg8 : memref<2048xf32, #tpu.memory_space<vmem>>)
    %dma_wait3A_29 = arith.constant 0 : i32
    %dma_wait3A_30 = tpu.memref_slice %arg4[%add3A, %dma_wait3A_29] : memref<32x2048xf32, #tpu.memory_space<hbm>> -> memref<1x2048xf32, #tpu.memory_space<hbm>>
    %dma_wait3A_31 = tpu.memref_squeeze %dma_wait3A_30 : memref<1x2048xf32, #tpu.memory_space<hbm>> -> memref<2048xf32, #tpu.memory_space<hbm>>
    %dma_wait3A_32 = arith.constant 0 : i32
    %dma_wait3A_33 = tpu.memref_slice %arg4[%add3A, %dma_wait3A_32] : memref<32x2048xf32, #tpu.memory_space<hbm>> -> memref<1x2048xf32, #tpu.memory_space<hbm>>
    %dma_wait3A_34 = tpu.memref_squeeze %dma_wait3A_33 : memref<1x2048xf32, #tpu.memory_space<hbm>> -> memref<2048xf32, #tpu.memory_space<hbm>>
    tpu.wait_dma2 semaphore(%arg12 : memref<!tpu.dma_semaphore, #tpu.memory_space<semaphore_mem>>) src(%dma_wait3A_34 : memref<2048xf32, #tpu.memory_space<hbm>>) dst(%arg9 : memref<2048xf32, #tpu.memory_space<vmem>>)
    %broadcast_in_dim3A = arith.constant 0.000000e+00 : f32
    %broadcast_in_dim3A_35 = vector.broadcast %broadcast_in_dim3A : f32 to vector<16xf32>
    %scan3A = arith.constant 0 : i32
    %scan3A_36 = arith.constant 0 : i32
    %scan3A_37 = arith.constant 128 : i32
    %scan3A_38 = arith.addi %scan3A_36, %scan3A_37 : i32
    %scan3A_39 = arith.constant 1 : i32
    scf.for %scan3A_41 = %scan3A_36 to %scan3A_38 step %scan3A_39  : i32 {
      %mul3A_42 = arith.constant 16 : i32
      %mul3A_43 = arith.muli %scan3A_41, %mul3A_42 : i32
      %get3A = arith.index_cast %mul3A_43 : i32 to index
      %get3A_44 = tpu.vector_load %arg7[%get3A] {strides = array<i32>} : memref<2048xi32, #tpu.memory_space<vmem>>, vector<16xi32>,
      %get3A_45 = vector.shape_cast %get3A_44 : vector<16xi32> to vector<16xi32>
      %convert_element_type3A = arith.sitofp %get3A_45 : vector<16xi32> to vector<16xf32>
      %get3A_46 = arith.index_cast %mul3A_43 : i32 to index
      %get3A_47 = tpu.vector_load %arg9[%get3A_46] {strides = array<i32>} : memref<2048xf32, #tpu.memory_space<vmem>>, vector<16xf32>,
      %get3A_48 = vector.shape_cast %get3A_47 : vector<16xf32> to vector<16xf32>
      %mul3A_49 = arith.mulf %get3A_48, %convert_element_type3A : vector<16xf32>
      %get3A_50 = arith.index_cast %mul3A_43 : i32 to index
      %get3A_51 = tpu.vector_load %arg8[%get3A_50] {strides = array<i32>} : memref<2048xf32, #tpu.memory_space<vmem>>, vector<16xf32>,
      %get3A_52 = vector.shape_cast %get3A_51 : vector<16xf32> to vector<16xf32>
      %neg3A = arith.constant 0.000000e+00 : f32
      %neg3A_53 = vector.broadcast %neg3A : f32 to vector<16xf32>
      %neg3A_54 = arith.subf %neg3A_53, %get3A_52 : vector<16xf32>
      %max3A = arith.maximumf %neg3A_54, %broadcast_in_dim3A_35 : vector<16xf32>
      %mul3A_55 = arith.mulf %mul3A_49, %max3A : vector<16xf32>
      %swap3A = arith.index_cast %mul3A_43 : i32 to index
      %swap3A_56 = tpu.vector_load %arg10[%swap3A] {strides = array<i32>} : memref<2048xf32, #tpu.memory_space<vmem>>, vector<16xf32>,
      %swap3A_57 = vector.shape_cast %swap3A_56 : vector<16xf32> to vector<16xf32>
      %swap3A_58 = vector.shape_cast %mul3A_55 : vector<16xf32> to vector<16xf32>
      tpu.vector_store %arg10[%swap3A], %swap3A_58 {strides = array<i32>} : memref<2048xf32, #tpu.memory_space<vmem>>, vector<16xf32>,
      %min3A = arith.minimumf %neg3A_54, %broadcast_in_dim3A_35 : vector<16xf32>
      %mul3A_59 = arith.mulf %mul3A_49, %min3A : vector<16xf32>
      %swap3A_60 = arith.index_cast %mul3A_43 : i32 to index
      %swap3A_61 = tpu.vector_load %arg11[%swap3A_60] {strides = array<i32>} : memref<2048xf32, #tpu.memory_space<vmem>>, vector<16xf32>,
      %swap3A_62 = vector.shape_cast %swap3A_61 : vector<16xf32> to vector<16xf32>
      %swap3A_63 = vector.shape_cast %mul3A_59 : vector<16xf32> to vector<16xf32>
      tpu.vector_store %arg11[%swap3A_60], %swap3A_63 {strides = array<i32>} : memref<2048xf32, #tpu.memory_space<vmem>>, vector<16xf32>,
    }
    %scan3A_40 = arith.constant 128 : i32
    "tpu.region"() ({
      %run_scoped3A = tpu.sem_alloc : memref<!tpu.dma_semaphore, #tpu.memory_space<semaphore_mem>>
      %dma_start3A_41 = arith.constant 0 : i32
      %dma_start3A_42 = tpu.memref_slice %arg5[%add3A, %dma_start3A_41] : memref<32x2048xf32, #tpu.memory_space<hbm>> -> memref<1x2048xf32, #tpu.memory_space<hbm>>
      %dma_start3A_43 = tpu.memref_squeeze %dma_start3A_42 : memref<1x2048xf32, #tpu.memory_space<hbm>> -> memref<2048xf32, #tpu.memory_space<hbm>>
      %dma_start3A_44 = arith.constant 0 : i32
      %dma_start3A_45 = tpu.memref_slice %arg5[%add3A, %dma_start3A_44] : memref<32x2048xf32, #tpu.memory_space<hbm>> -> memref<1x2048xf32, #tpu.memory_space<hbm>>
      %dma_start3A_46 = tpu.memref_squeeze %dma_start3A_45 : memref<1x2048xf32, #tpu.memory_space<hbm>> -> memref<2048xf32, #tpu.memory_space<hbm>>
      tpu.enqueue_dma source(%arg10 : memref<2048xf32, #tpu.memory_space<vmem>>) target(%dma_start3A_46 : memref<2048xf32, #tpu.memory_space<hbm>>) target_semaphore(%run_scoped3A : memref<!tpu.dma_semaphore, #tpu.memory_space<semaphore_mem>>)
      %dma_wait3A_47 = arith.constant 0 : i32
      %dma_wait3A_48 = tpu.memref_slice %arg5[%add3A, %dma_wait3A_47] : memref<32x2048xf32, #tpu.memory_space<hbm>> -> memref<1x2048xf32, #tpu.memory_space<hbm>>
      %dma_wait3A_49 = tpu.memref_squeeze %dma_wait3A_48 : memref<1x2048xf32, #tpu.memory_space<hbm>> -> memref<2048xf32, #tpu.memory_space<hbm>>
      %dma_wait3A_50 = arith.constant 0 : i32
      %dma_wait3A_51 = tpu.memref_slice %arg5[%add3A, %dma_wait3A_50] : memref<32x2048xf32, #tpu.memory_space<hbm>> -> memref<1x2048xf32, #tpu.memory_space<hbm>>
      %dma_wait3A_52 = tpu.memref_squeeze %dma_wait3A_51 : memref<1x2048xf32, #tpu.memory_space<hbm>> -> memref<2048xf32, #tpu.memory_space<hbm>>
      tpu.wait_dma2 semaphore(%run_scoped3A : memref<!tpu.dma_semaphore, #tpu.memory_space<semaphore_mem>>) src(%arg10 : memref<2048xf32, #tpu.memory_space<vmem>>) dst(%dma_wait3A_52 : memref<2048xf32, #tpu.memory_space<hbm>>)
      tpu.yield
    }) : () -> ()
    "tpu.region"() ({
      %run_scoped3A = tpu.sem_alloc : memref<!tpu.dma_semaphore, #tpu.memory_space<semaphore_mem>>
      %dma_start3A_41 = arith.constant 0 : i32
      %dma_start3A_42 = tpu.memref_slice %arg6[%add3A, %dma_start3A_41] : memref<32x2048xf32, #tpu.memory_space<hbm>> -> memref<1x2048xf32, #tpu.memory_space<hbm>>
      %dma_start3A_43 = tpu.memref_squeeze %dma_start3A_42 : memref<1x2048xf32, #tpu.memory_space<hbm>> -> memref<2048xf32, #tpu.memory_space<hbm>>
      %dma_start3A_44 = arith.constant 0 : i32
      %dma_start3A_45 = tpu.memref_slice %arg6[%add3A, %dma_start3A_44] : memref<32x2048xf32, #tpu.memory_space<hbm>> -> memref<1x2048xf32, #tpu.memory_space<hbm>>
      %dma_start3A_46 = tpu.memref_squeeze %dma_start3A_45 : memref<1x2048xf32, #tpu.memory_space<hbm>> -> memref<2048xf32, #tpu.memory_space<hbm>>
      tpu.enqueue_dma source(%arg11 : memref<2048xf32, #tpu.memory_space<vmem>>) target(%dma_start3A_46 : memref<2048xf32, #tpu.memory_space<hbm>>) target_semaphore(%run_scoped3A : memref<!tpu.dma_semaphore, #tpu.memory_space<semaphore_mem>>)
      %dma_wait3A_47 = arith.constant 0 : i32
      %dma_wait3A_48 = tpu.memref_slice %arg6[%add3A, %dma_wait3A_47] : memref<32x2048xf32, #tpu.memory_space<hbm>> -> memref<1x2048xf32, #tpu.memory_space<hbm>>
      %dma_wait3A_49 = tpu.memref_squeeze %dma_wait3A_48 : memref<1x2048xf32, #tpu.memory_space<hbm>> -> memref<2048xf32, #tpu.memory_space<hbm>>
      %dma_wait3A_50 = arith.constant 0 : i32
      %dma_wait3A_51 = tpu.memref_slice %arg6[%add3A, %dma_wait3A_50] : memref<32x2048xf32, #tpu.memory_space<hbm>> -> memref<1x2048xf32, #tpu.memory_space<hbm>>
      %dma_wait3A_52 = tpu.memref_squeeze %dma_wait3A_51 : memref<1x2048xf32, #tpu.memory_space<hbm>> -> memref<2048xf32, #tpu.memory_space<hbm>>
      tpu.wait_dma2 semaphore(%run_scoped3A : memref<!tpu.dma_semaphore, #tpu.memory_space<semaphore_mem>>) src(%arg11 : memref<2048xf32, #tpu.memory_space<vmem>>) dst(%dma_wait3A_52 : memref<2048xf32, #tpu.memory_space<hbm>>)
      tpu.yield
    }) : () -> ()
    return
  }
}

</mosaic_0001>

<sc_bundles>
// kernel: kernel.3.cloned.1.call-start
scs
__scs_entry_jumppad:
0x0: {  	(pc) =	sbr.rel $0x88, $3  }
0x1: {  	(tag) =	ssettag $0x0;
	lr =	simm.s32 $0x1  }
0x2: {  	[smem:$0x3F9E] =	sst lr;
	_ =	strace $0xD0000000  }
0x3: {  	_ = 	snop  }
0x4: {  	_ = 	snop  }
0x5: {  	_ = 	snop  }
0x6: {  	_ = 	snop  }
0x7: {  	_ = 	snop  }
__scs_overlays_trampoline_lowered:
0x8: {  	[smem:$0x3FAD] =	sst s0  }
0x9: {  	[smem:$0x3FAE] =	sst s1  }
0xa: {  	[smem:$0x3FAF] =	sst s2  }
0xb: {  	[smem:$0x3FB0] =	sst s3  }
0xc: {  	[smem:$0x3FB1] =	sst s4  }
0xd: {  	[smem:$0x3FB2] =	sst s5  }
0xe: {  	[smem:$0x3FB3] =	sst s6  }
0xf: {  	[smem:$0x3FB4] =	sst s7  }
0x10: {  	[smem:$0x3FB5] =	sst s8  }
0x11: {  	[smem:$0x3FB6] =	sst s9;
	s0 =	simm.s32 @!p0 $0x0  }
0x12: {  	s1 =	sld [smem:$0x3F9C];
	s0 =	simm.s32 @p0 $0x1  }
0x13: {  	[smem:$0x3FB7] =	sst s0;
	s0 =	simm.s32 @!p1 $0x0  }
0x14: {  	s2 =	sld [smem:$0x3F9B];
	s0 =	simm.s32 @p1 $0x1  }
0x15: {  	[smem:$0x3FB8] =	sst s0;
	s0 =	simm.s32 @!p2 $0x0  }
0x16: {  	s3 =	sld [smem:$0x3FDB];
	s0 =	simm.s32 @p2 $0x1  }
0x17: {  	s4 =	simm.s32 $0x1BF5;
	[smem:$0x3FBA] =	sst s0  }
0x18: {  	s0 =	sld [smem:$0x3F9D];
	_ =	swait.ge [sflag:s4], $0x0  }
0x19: {  	s7 =	sld [smem:$0x3F9E]  }
0x1a: {  	s8 =	sadd.s32 $0xFFFFE003, lr  }
0x1b: {  	s9 =	sadd.s32 $0xFFFFFEF7, lr;
	s5 =	simm.s32 $0xFFFFFFFF;
	p2 =	slt.u32 s8, $0xFFFFF086  }
0x1c: {  	p1 =	slt.u32 s9, $0xF7A;
	s5 =	simm.s32 @!p2 $0x0  }
0x1d: {  	s5 =	simm.s32 @p1 $0x1;
	p0 =	seq.s32 s7, s2  }
0x1e: {  	s7 =	smul.u32 @!p0 $0xF7A, s2;
	p2 =	seq.s32 @!p0 s5, $0x0  }
0x1f: {  	s9 =	smul.u32 $0xF7A, s1;
	s8 =	simm.s32 @!p0 $0x1BF5;
	p2 =	por !p2, p0  }
0x20: {  	[sflag:s8] =	ssyncset.s32 @!p0 $0xFFFFF086;
	s6 =	sadd.s32 @!p0 s3, s7;
	s7 =	simm.s32 @!p0 $0x108  }
0x21: {  	s3 =	sadd.s32 s3, s9;
	s6 =	sadd.s32 @!p0 $0x88, s6;
	s7 =	simm.s32 @p2 $0x1082  }
0x22: {  	[simem:s7], [sflag:s8] =	dma.local @!p0 [hbm:s6], $0xF7A  }
0x23: {  	s9 =	sor.u32 $0xD0000000, s2;
	s6 =	simm.s32 $0x108;
	_ =	swait.ge @!p0 [sflag:s8], $0x0  }
0x24: {  	s3 =	sadd.s32 $0x88, s3;
	s6 =	simm.s32 @!p1 $0x1082;
	[sflag:s4] =	ssyncset.s32 $0xFFFFF086  }
0x25: {  	[simem:s6], [sflag:s4] =	dma.local [hbm:s3], $0xF7A  }
0x26: {  	[smem:$0x3F9E] =	sst s1;
	(tag) =	ssettag s2;
	_ =	strace s9  }
0x27: {  	s1 =	sld [smem:$0x3FAE]  }
0x28: {  	s2 =	sld [smem:$0x3FAF]  }
0x29: {  	s4 =	sld [smem:$0x3FB1]  }
0x2a: {  	p0 =	seq.s32 s5, $0x0;
	s5 =	sld [smem:$0x3FB2]  }
0x2b: {  	s6 =	sld [smem:$0x3FB3]  }
0x2c: {  	s7 =	sld [smem:$0x3FB4]  }
0x2d: {  	s3 =	simm.s32 $0x108;
	s8 =	sld [smem:$0x3FB5]  }
0x2e: {  	s3 =	simm.s32 @!p0 $0x1082;
	s9 =	sld [smem:$0x3FB6]  }
0x2f: {  	lr =	sadd.s32 s0, s3;
	s0 =	sld [smem:$0x3FAD]  }
0x30: {  	s3 =	sld [smem:$0x3FB0]  }
0x31: {  	[smem:$0x3FB9] =	sst s10  }
0x32: {  	s10 =	sld [smem:$0x3FB7];
	_ =	sdelay $0x3  }
0x33: {  	p0 =	seq.s32 s10, $0x1;
	s10 =	sld [smem:$0x3FB9];
	_ =	sdelay $0x3  }
0x34: {  	[smem:$0x3FB9] =	sst s10  }
0x35: {  	s10 =	sld [smem:$0x3FB8];
	_ =	sdelay $0x3  }
0x36: {  	p1 =	seq.s32 s10, $0x1;
	s10 =	sld [smem:$0x3FB9];
	_ =	sdelay $0x3  }
0x37: {  	[smem:$0x3FB9] =	sst s10  }
0x38: {  	s10 =	sld [smem:$0x3FBA]  }
0x39: {  	_ = 	snop;
	(pc) =	sbr.ind lr, $3  }
0x3a: {  	_ = 	snop  }
0x3b: {  	_ = 	snop  }
0x3c: {  	p2 =	seq.s32 s10, $0x1;
	s10 =	sld [smem:$0x3FB9]  }
0x3d: {  	_ =	shalt  }
0x3e: {  	_ =	shalt  }
0x3f: {  	_ =	shalt  }
0x40: {  	_ =	shalt  }
0x41: {  	_ =	shalt  }
0x42: {  	_ =	shalt  }
0x43: {  	_ =	shalt  }
0x44: {  	_ =	shalt  }
0x45: {  	_ =	shalt  }
0x46: {  	_ =	shalt  }
0x47: {  	_ =	shalt  }
0x48: {  	_ =	shalt  }
0x49: {  	_ =	shalt  }
0x4a: {  	_ =	shalt  }
0x4b: {  	_ =	shalt  }
0x4c: {  	_ =	shalt  }
0x4d: {  	_ =	shalt  }
0x4e: {  	_ =	shalt  }
0x4f: {  	_ =	shalt  }
0x50: {  	_ =	shalt  }
0x51: {  	_ =	shalt  }
0x52: {  	_ =	shalt  }
0x53: {  	_ =	shalt  }
0x54: {  	_ =	shalt  }
0x55: {  	_ =	shalt  }
0x56: {  	_ =	shalt  }
0x57: {  	_ =	shalt  }
0x58: {  	_ =	shalt  }
0x59: {  	_ =	shalt  }
0x5a: {  	_ =	shalt  }
0x5b: {  	_ =	shalt  }
0x5c: {  	_ =	shalt  }
0x5d: {  	_ =	shalt  }
0x5e: {  	_ =	shalt  }
0x5f: {  	_ =	shalt  }
0x60: {  	_ =	shalt  }
0x61: {  	_ =	shalt  }
0x62: {  	_ =	shalt  }
0x63: {  	_ =	shalt  }
0x64: {  	_ =	shalt  }
0x65: {  	_ =	shalt  }
0x66: {  	_ =	shalt  }
0x67: {  	_ =	shalt  }
0x68: {  	_ =	shalt  }
0x69: {  	_ =	shalt  }
0x6a: {  	_ =	shalt  }
0x6b: {  	_ =	shalt  }
0x6c: {  	_ =	shalt  }
0x6d: {  	_ =	shalt  }
0x6e: {  	_ =	shalt  }
0x6f: {  	_ =	shalt  }
0x70: {  	_ =	shalt  }
0x71: {  	_ =	shalt  }
0x72: {  	_ =	shalt  }
0x73: {  	_ =	shalt  }
0x74: {  	_ =	shalt  }
0x75: {  	_ =	shalt  }
0x76: {  	_ =	shalt  }
0x77: {  	_ =	shalt  }
0x78: {  	_ =	shalt  }
0x79: {  	_ =	shalt  }
0x7a: {  	_ =	shalt  }
0x7b: {  	_ =	shalt  }
0x7c: {  	_ =	shalt  }
0x7d: {  	_ =	shalt  }
0x7e: {  	_ =	shalt  }
0x7f: {  	_ =	shalt  }
0x80: {  	_ =	shalt  }
0x81: {  	_ =	shalt  }
0x82: {  	_ =	shalt  }
0x83: {  	_ =	shalt  }
0x84: {  	_ =	shalt  }
0x85: {  	_ =	shalt  }
0x86: {  	_ =	shalt  }
0x87: {  	_ =	shalt  }
.Lfunc_end0:
.L_simem_size_0:
called_computation_lowered:
.L_overlay_start_0:
0x88: {  	s2 =	sld [smem:$0x3FD9]  }
0x89: {  	s3 =	sld [smem:$0x3FFE];
	_ =	sdelay $0x1  }
0x8a: {  	s1 =	srdreg.scid  }
0x8b: {  	s0 =	sand.u32 $0x1, s1  }
0x8c: {  	s14 =	sshll.u32 s0, $0xA;
	s2 =	sadd.s32 s3, s2  }
0x8d: {  	s2 =	sadd.s32 s2, s14  }
0x8e: {  	[smem:$0x3FC5] =	sst s2  }
0x8f: {  	_ = 	snop  }
0x90: {  	s2 =	sld [smem:$0x3FD0];
	_ =	sdelay $0x1  }
0x91: {  	s15 =	sld [smem:$0x3FC8]  }
0x92: {  	s5 =	simm.s32 $0xA;
	s6 =	simm.s32 $0x10;
	s4 =	sld [smem:$0x3FC7]  }
0x93: {  	[smem:s6], [sflag:s5] =	dma.local [hbm:s2], $0x1  }
0x94: {  	_ =	swait.eq [sflag:s5], $0x1  }
0x95: {  	[sflag:s5] =	ssyncset.done $0x0  }
0x96: {  	s16 =	sld [smem:$0x10];
	[sflag:s5] =	ssyncadd.s32 $0xFFFFFFFF  }
0x97: {  	s17 =	sld [smem:$0x11];
	(tm) =	ssettm $0x1  }
0x98: {  	s18 =	sld [smem:$0x3FFB];
	_ =	sdelay $0x3  }
0x99: {  	_ =	strace s18  }
0x9a: {  	s6 =	sld [smem:$0x3FFC];
	_ =	sdelay $0x3  }
0x9b: {  	_ =	strace s6  }
0x9c: {  	s6 =	sld [smem:$0x3FFD];
	_ =	sdelay $0x3  }
0x9d: {  	_ =	strace s6  }
0x9e: {  	_ =	strace $0x8FFFFFFF  }
0x9f: {  	s19 =	sld [smem:$0x3FDB];
	_ =	sdelay $0x1  }
0xa0: {  	s7 =	simm.s32 $_scs_section_size  }
0xa1: {  	s8 =	simm.s32 $_size__tile_overlayer_lowered;
	s9 =	simm.s32 $_tile_overlayer_lowered  }
0xa2: {  	s22 =	simm.s32 $0x1BFF;
	s21 =	sshll.u32 s9, $0x1;
	s6 =	sadd.s32 s7, s19  }
0xa3: {  	s10 =	simm.s32 $0x0;
	s20 =	sshll.u32 s8, $0x1;
	s8 =	sadd.s32 s21, s6  }
0xa4: {  	[timem:s10], [sflag:s22] =	dma.local [hbm:s8], s20  }
0xa5: {  	_ =	swait.ge [sflag:s22], s20  }
0xa6: {  	s7 =	ssub.s32 $0x0, s20;
	[sflag:s22] =	ssyncset.done $0x0  }
0xa7: {  	[sflag:s22] =	ssyncadd.s32 s7;
	_ =	sdelay $0x1  }
0xa8: {  	s23 =	simm.s32 $0x1B8B  }
0xa9: {  	_ =	swait.ge [sflag:s23], $0x1  }
0xaa: {  	[sflag:s23] =	ssyncset.done $0x0  }
0xab: {  	s25 =	simm.s32 $0x1B8E;
	s24 =	sld [smem:$0x3FFE];
	[sflag:s23] =	ssyncadd.s32 $0xFFFFFFFF  }
0xac: {  	s26 =	simm.s32 $execute0_lowered;
	[smem:$0x3FD2] =	sst s25  }
0xad: {  	s8 =	sshll.u32 s26, $0x1;
	_ =	strace $0x80000046;
	[dreg:$0x1] =	wrdreg $0xFFFFFFFF  }
0xae: {  	s28 =	simm.s32 $_size_execute0_lowered;
	s6 =	sadd.s32 s6, s8;
	[dreg:$0x0] =	wrdreg $0x0  }
0xaf: {  	s8 =	sshll.u32 s28, $0x1;
	[dreg:$0x2] =	wrdreg s6  }
0xb0: {  	[dreg:$0x3] =	wrdreg s8  }
0xb1: {  	[dreg:$0x4] =	wrdreg $0xC0  }
0xb2: {  	_ =	task [dreg:s10], $0x5FFFF  }
0xb3: {  	[dreg:$0x1] =	wrdreg $0xFFFFFFFF  }
0xb4: {  	[dreg:$0x0] =	wrdreg $0x60  }
0xb5: {  	[dreg:$0x2] =	wrdreg s24  }
0xb6: {  	[dreg:$0x3] =	wrdreg s15  }
0xb7: {  	[dreg:$0x4] =	wrdreg s4  }
0xb8: {  	[dreg:$0x5] =	wrdreg s16  }
0xb9: {  	[dreg:$0x6] =	wrdreg s17  }
0xba: {  	[dreg:$0x7] =	wrdreg $0x9  }
0xbb: {  	_ =	task.clear_ibuf [dreg:s10], $0x8FFFF;
	_ =	strace $0x90000046  }
0xbc: {  	s29 =	simm.s32 $0x9;
	_ =	strace $0x80000048  }
0xbd: {  	_ =	swait.ge [sflag:s29], $0x1  }
0xbe: {  	[sflag:s29] =	ssyncadd.s32 $0xFFFFFFFF  }
0xbf: {  	_ =	strace $0x90000048  }
0xc0: {  	_ =	sfence  }
0xc1: {  	s30 =	sld [smem:$0x0];
	_ =	sdelay $0x2  }
0xc2: {  	s31 =	sshll.u32 s1, $0xD;
	s1 =	sshrl.u32 s1, $0x2  }
0xc3: {  	s3 =	sand.u32 $0x4000, s31;
	s1 =	sadd.s32 s1, s30  }
0xc4: {  	s0 =	sor.u32 s3, s0;
	s1 =	sshll.u32 s1, $0x11  }
0xc5: {  	s0 =	sor.u32 s1, s0  }
0xc6: {  	s0 =	sadd.s32 $0x8F2B, s0  }
0xc7: {  	[sflag:s0] =	ssyncadd.remote.s32 $0x1  }
0xc8: {  	_ =	sfence.sel $0xFFFF  }
0xc9: {  	[dreg:$0x0] =	wrdreg $0xFFFFFFFF;
	(pc) =	sbr.abs _section_cstart, $3  }
0xca: {  	[dreg:$0x1] =	wrdreg $0xFFFFFFFF  }
0xcb: {  	_ =	task.clear_ibuf [dreg:s10], $0x2FFFF;
	_ =	strace $0x9FFFFFFF  }
0xcc: {  	(tm) =	ssettm $0x7FFFFFFF  }
0xcd: {  	_ =	shalt  }
tec
execute0_lowered:
.L_overlay_start_1:
0x0: {  	(tag) =	ssettag $0x1  }
0x1: {  	s3 =	rddreg [dreg:$0x0]  }
0x2: {  	s4 =	rddreg [dreg:$0x1]  }
0x3: {  	s5 =	rddreg [dreg:$0x2]  }
0x4: {  	s6 =	rddreg [dreg:$0x3]  }
0x5: {  	s7 =	rddreg [dreg:$0x4]  }
0x6: {  	s0 =	rddreg [dreg:$0x5]  }
0x7: {  	s8 =	srdreg.scid;
	s1 =	stileid.u32  }
0x8: {  	s2 =	simm.s32 $0x0;
	s12 =	simm.s32 $0x1000;
	s13 =	simm.s32 $0x1  }
0x9: {  	s14 =	simm.s32 $0x1800;
	s15 =	simm.s32 $0x2;
	s16 =	simm.s32 $0x2000  }
0xa: {  	s17 =	simm.s32 $0x0;
	s8 =	sand.u32 $0x1, s8;
	s9 =	sshll.u32 s1, $0x5  }
0xb: {  	s10 =	sshll.u32 s1, $0x9;
	[smem:$0x7FF] =	sst s2;
	s11 =	sshll.u32 s8, $0x4  }
0xc: {  	s9 =	sand.u32 $0x60, s9;
	s10 =	sand.u32 $0x1800, s10;
	s8 =	ssub.s32 $0x2, s8  }
0xd: {  	_ =	strace $0x80000047;
	s9 =	sor.u32 s11, s9;
	s31 =	sshrl.u32 s8, $0x1  }
0xe: {  	s11 =	simm.s32 $0x800;
	s9 =	sor.u32 s10, s9;
	s8 =	ssub.s32 s8, s31  }
0xf: {  	s10 =	simm.s32 $0x400;
	s3 =	sadd.s32 s9, s3;
	s4 =	sadd.s32 s4, s9  }
0x10: {  	s5 =	sadd.s32 s5, s9;
	s6 =	sadd.s32 s6, s9;
	s7 =	sadd.s32 s7, s9  }
0x11: {  	s8 =	smax.u32 s8, $0x1;
	s9 =	simm.s32 $0x80;
	s3 =	sadd.s32 $0x600, s3  }
.LBB2_1:
0x12: {  	[tilespmem:s2], [sflag:$0x1] =	stream.strided.gather [hbm4b:s3+s9], $0x800, s10, s9, $0x38;
	[tilespmem:$0x2800] =	vst v63  }
0x13: {  	_ = 	snop  }
0x14: {  	[tilespmem:s11], [sflag:$0x1] =	stream.strided.gather [hbm4b:s4+s9], $0x800, s10, s9, $0x38;
	[tilespmem:$0x2800] =	vst v63  }
0x15: {  	_ = 	snop  }
0x16: {  	[tilespmem:s12], [sflag:$0x1] =	stream.strided.gather [hbm4b:s5+s9], $0x800, s10, s9, $0x38;
	[tilespmem:$0x2800] =	vst v63  }
0x17: {  	_ =	swait.ge [sflag:s13], $0x800  }
0x18: {  	[sflag:s13] =	ssyncset.done $0x0  }
0x19: {  	[sflag:s13] =	ssyncadd.s32 $0xFFFFF800  }
0x1a: {  	_ =	swait.ge [sflag:s13], $0x800  }
0x1b: {  	[sflag:s13] =	ssyncset.done $0x0  }
0x1c: {  	[sflag:s13] =	ssyncadd.s32 $0xFFFFF800  }
0x1d: {  	_ =	swait.ge [sflag:s13], $0x800  }
0x1e: {  	[sflag:s13] =	ssyncset.done $0x0  }
0x1f: {  	s18 =	simm.s32 $0x0;
	[sflag:s13] =	ssyncadd.s32 $0xFFFFF800  }
0x20: {  	v0 =	vld [tilespmem:s18+$0x0]  }
0x21: {  	v1 =	vld [tilespmem:s18+$0x1000]  }
0x22: {  	v2 =	vld [tilespmem:s18+$0x800];
	_ =	sdelay $0x2  }
0x23: {  	s19 =	simm.s32 $0x10;
	v3 =	vcvt.s32.f32 v0  }
0x24: {  	v0 =	vld [tilespmem:s19+$0x0]  }
0x25: {  	v2 =	vxor.u32 $0x80000000, v2;
	v4 =	vmul.f32 v3, v1;
	v1 =	vld [tilespmem:s19+$0x1000]  }
0x26: {  	v5 =	vmin.f32 v2, $0.0e+00;
	v3 =	vmax.f32 v2, $0.0e+00;
	v2 =	vld [tilespmem:s19+$0x800]  }
0x27: {  	s20 =	simm.s32 $0x80;
	v3 =	vmul.f32 v3, v4;
	v4 =	vmul.f32 v5, v4  }
.LBB2_2:
0x28: {  	p0 =	sne.s32 s20, $0x1FC0  }
.Ltmp0:
0x29: {  	s21 =	sshra.s32 s20, $0x2;
	s20 =	sadd.s32 $0x40, s20;
	v5 =	vcvt.s32.f32 v0;
	[tilespmem:s18+$0x2000] =	vst v4;
	(pc) =	sbr.rel @p0 .LBB2_2-.Ltmp0, $4  }
0x2a: {  	v0 =	vld [tilespmem:s21+$0x0];
	[tilespmem:s18+$0x1800] =	vst v3;
	s18 =	smov.u32 s19;
	s19 =	smov.u32 s21  }
0x2b: {  	v4 =	vmul.f32 v5, v1;
	v1 =	vld [tilespmem:s19+$0x1000];
	v3 =	vxor.u32 $0x80000000, v2  }
0x2c: {  	v2 =	vld [tilespmem:s19+$0x800];
	v5 =	vmax.f32 v3, $0.0e+00;
	v6 =	vmin.f32 v3, $0.0e+00  }
0x2d: {  	v3 =	vmul.f32 v5, v4;
	v4 =	vmul.f32 v6, v4  }
0x2e: {  	_ = 	snop  }
0x2f: {  	v0 =	vcvt.s32.f32 v0;
	_ =	sdelay $0x1  }
0x30: {  	v0 =	vmul.f32 v0, v1;
	v63 =	vxor.u32 $0x80000000, v2  }
0x31: {  	v2 =	vmin.f32 v63, $0.0e+00  }
0x32: {  	[tilespmem:s18+$0x2000] =	vst v4;
	v1 =	vmax.f32 v63, $0.0e+00;
	v2 =	vmul.f32 v2, v0  }
0x33: {  	[tilespmem:s18+$0x1800] =	vst v3;
	v0 =	vmul.f32 v1, v0  }
0x34: {  	[tilespmem:s19+$0x2000] =	vst v2  }
0x35: {  	[tilespmem:s19+$0x1800] =	vst v0  }
0x36: {  	[hbm4b:s6+s9] =	stream.strided.scatter [tilespmem:s14], [sflag:$0x2], $0x800, s10, s9, $0x38;
	[tilespmem:$0x2800] =	vst v63  }
0x37: {  	s17 =	sadd.s32 $0x1, s17;
	_ =	swait.ge [sflag:s15], $0x800  }
0x38: {  	p0 =	sne.s32 s17, s8;
	[sflag:s15] =	ssyncset.done $0x0  }
.Ltmp1:
0x39: {  	[sflag:s15] =	ssyncadd.s32 $0xFFFFF800;
	(pc) =	sbr.rel @p0 .LBB2_1-.Ltmp1, $4  }
0x3a: {  	[hbm4b:s7+s9] =	stream.strided.scatter [tilespmem:s16], [sflag:$0x2], $0x800, s10, s9, $0x38;
	[tilespmem:$0x2800] =	vst v63  }
0x3b: {  	_ =	swait.ge [sflag:s15], $0x800  }
0x3c: {  	[sflag:s15] =	ssyncset.done $0x0  }
0x3d: {  	[sflag:s15] =	ssyncadd.s32 $0xFFFFF800  }
0x3e: {  	_ =	sfence.sel $0x180000  }
0x3f: {  	[bflag:$0x0] =	sbarrier.arrive $0xFFFF  }
0x40: {  	p0 =	sne.s32 s1, $0x0;
	_ =	strace $0x90000047  }
0x41: {  	s0 =	sadd.s32 @!p0 $0x100000, s0;
	[bflag:$0x2] =	sbarrier.arrive $0xFFFF  }
0x42: {  	[sflag:s0] =	ssyncadd.tile.s32 @!p0 $0x1;
	_ =	shalt  }
.Lfunc_end2:
_tile_overlayer_lowered:
.L_overlay_start_2:
0x43: {  	(tag) =	ssettag $0x2  }
0x44: {  	s0 =	rddreg [dreg:$0x0];
	s2 =	stileid.u32  }
0x45: {  	s1 =	rddreg [dreg:$0x1];
	p0 =	sne.s32 s2, $0x0  }
0x46: {  	s3 =	rddreg [dreg:$0x2];
	[bflag:$0x3] =	sbarrier.arrive $0xFFFF;
	s2 =	simm.s32 @!p0 $0x1C02  }
0x47: {  	[timem:s3], [sflag:s2] =	dma.local @!p0 [hbm:s0], s1  }
0x48: {  	s0 =	simm.s32 @!p0 $0x2  }
0x49: {  	_ =	swait.ge @!p0 [sflag:s0], s1  }
0x4a: {  	s1 =	ssub.s32 @!p0 $0x0, s1;
	[sflag:s0] =	ssyncset.done @!p0 $0x0  }
0x4b: {  	[sflag:s0] =	ssyncadd.s32 @!p0 s1  }
0x4c: {  	[bflag:$0x3] =	sbarrier.arrive $0xFFFF  }
0x4d: {  	_ =	shalt  }

</sc_bundles>
